<compile_context>
chip_gen: v7x
topology: tpu7x:2x2x1
jax: 0.10.2.dev20260603
libtpu: 0.0.44.dev20260713+nightly
codegen_flags: <defaults>
</compile_context>

<pallas_src>
import functools

import jax
import jax.numpy as jnp
from jax import lax
from jax.experimental import pallas as pl
from jax.experimental.pallas import tpu as pltpu
from jax.experimental.pallas import tpu_sc as plsc

NUM_KEEP = 2048

_info = plsc.get_sparse_core_info()
_NC, _NS = _info.num_cores, _info.num_subcores
_NW = _NC * _NS


@functools.lru_cache(maxsize=None)
def _make_gather(R, D, rows_per_w, chunk):
    nchunks = rows_per_w // chunk
    mesh = plsc.VectorSubcoreMesh(core_axis_name="c", subcore_axis_name="s")

    @functools.partial(
        pl.kernel,
        mesh=mesh,
        out_type=jax.ShapeDtypeStruct((R, D), jnp.float32),
        scratch_types=[
            pltpu.VMEM((nchunks, chunk), jnp.int32),
            pltpu.VMEM((chunk, D), jnp.float32),
            pltpu.SemaphoreType.DMA,
        ],
    )
    def gather_k(x_hbm, gidx_hbm, out_hbm, idx_v, rows_v, sem):
        wid = lax.axis_index("s") * _NC + lax.axis_index("c")
        base = wid * rows_per_w
        pltpu.sync_copy(gidx_hbm.at[wid], idx_v)
        for j in range(nchunks):
            pltpu.async_copy(x_hbm.at[idx_v.at[j]], rows_v, sem).wait()
            pltpu.sync_copy(rows_v, out_hbm.at[pl.ds(base + j * chunk, chunk)])

    return gather_k


def kernel(x):
    B, N, D = x.shape
    noise = jax.random.uniform(jax.random.key(1), (B, N), dtype=jnp.float32)
    ids = lax.top_k(-noise, NUM_KEEP)[1]
    gidx = (ids + (jnp.arange(B, dtype=ids.dtype) * N)[:, None]).astype(jnp.int32)

    R = B * NUM_KEEP
    rows_per_w = R // _NW
    chunk = 64
    gidx = gidx.reshape(_NW, rows_per_w // chunk, chunk)
    out = _make_gather(R, D, rows_per_w, chunk)(x.reshape(B * N, D), gidx)
    return out.reshape(B, NUM_KEEP, D)

# --- scband reference (transcript-rebuilt; emitter-appended) ---
"""Pipeline reference for scband-token-sample-41910290874544 (READ-ONLY COPY).

The authoritative reference and input builder live on the scoring server;
editing this copy changes nothing except your own understanding.
"""

import jax, jax.numpy as jnp
import numpy as np

NUM = 2048


def sample_token(x, num, key):
    # Random token sampling: draw uniform noise per token, argsort, keep first `num` ids,
    # then gather those tokens. Faithful to the standard torch sample_token implementation
    # (rand -> argsort -> gather).
    B, N = x.shape[:2]
    noise = jax.random.uniform(key, (B, N), dtype=jnp.float32)
    ids = jnp.argsort(noise, axis=1)[:, :num]  # [B, num]
    # gather along token dim
    gathered = jnp.take_along_axis(x, ids[:, :, None], axis=1)
    return gathered


def setup_inputs(seed: int = 0) -> dict:
    key = jax.random.key(seed)
    x = jax.random.normal(key, (4, 4096, 1024), dtype=jnp.float32)
    return {"x": x}


def reference(x):
    B, N = x.shape[:2]
    num = NUM
    if N <= num:
        return x
    # method is None branch: random subsampling of tokens
    return sample_token(x, num, jax.random.key(1))

if __name__ == "__main__":
    import jax
    _d = setup_inputs()
    print(jax.jit(kernel)(*tuple(_d.values())))

</pallas_src>

<mosaic_0001>
#map = affine_map<(d0, d1) -> (0, 0)>
#map1 = affine_map<(d0, d1) -> (0, 0, 0)>
module attributes {stable_mosaic.version = 14 : i64} {
  func.func @gather_k(%arg0: i32, %arg1: i32, %arg2: memref<16384x1024xf32, #tpu.memory_space<hbm>>, %arg3: memref<32x4x64xi32, #tpu.memory_space<hbm>>, %arg4: memref<8192x1024xf32, #tpu.memory_space<hbm>>, %arg5: memref<4x64xi32, #tpu.memory_space<vmem>>, %arg6: memref<64x1024xf32, #tpu.memory_space<vmem>>, %arg7: memref<!tpu.dma_semaphore, #tpu.memory_space<semaphore_mem>>) attributes {dimension_semantics = [#tpu.dimension_semantics<core_parallel>, #tpu.dimension_semantics<subcore_parallel>], iteration_bounds = array<i64: 2, 16>, scalar_prefetch = 0 : i64, scratch_operands = 3 : i64, tpu.core_type = #tpu.core_type<sc_vector_subcore>, window_params = [{transform_indices = #map}, {transform_indices = #map1}, {transform_indices = #map}]} {
    %mul3A = arith.constant 2 : i32
    %mul3A_0 = arith.muli %arg1, %mul3A : i32
    %add3A = arith.addi %mul3A_0, %arg0 : i32
    %mul3A_1 = arith.constant 256 : i32
    %mul3A_2 = arith.muli %add3A, %mul3A_1 : i32
    "tpu.region"() ({
      %run_scoped3A = tpu.sem_alloc : memref<!tpu.dma_semaphore, #tpu.memory_space<semaphore_mem>>
      %dma_start3A_65 = arith.constant 0 : i32
      %dma_start3A_66 = arith.constant 0 : i32
      %dma_start3A_67 = tpu.memref_slice %arg3[%add3A, %dma_start3A_65, %dma_start3A_66] : memref<32x4x64xi32, #tpu.memory_space<hbm>> -> memref<1x4x64xi32, #tpu.memory_space<hbm>>
      %dma_start3A_68 = tpu.memref_squeeze %dma_start3A_67 : memref<1x4x64xi32, #tpu.memory_space<hbm>> -> memref<4x64xi32, #tpu.memory_space<hbm>>
      %dma_start3A_69 = arith.constant 0 : i32
      %dma_start3A_70 = arith.constant 0 : i32
      %dma_start3A_71 = tpu.memref_slice %arg3[%add3A, %dma_start3A_69, %dma_start3A_70] : memref<32x4x64xi32, #tpu.memory_space<hbm>> -> memref<1x4x64xi32, #tpu.memory_space<hbm>>
      %dma_start3A_72 = tpu.memref_squeeze %dma_start3A_71 : memref<1x4x64xi32, #tpu.memory_space<hbm>> -> memref<4x64xi32, #tpu.memory_space<hbm>>
      tpu.enqueue_dma source(%dma_start3A_72 : memref<4x64xi32, #tpu.memory_space<hbm>>) target(%arg5 : memref<4x64xi32, #tpu.memory_space<vmem>>) target_semaphore(%run_scoped3A : memref<!tpu.dma_semaphore, #tpu.memory_space<semaphore_mem>>)
      %dma_wait3A_73 = arith.constant 0 : i32
      %dma_wait3A_74 = arith.constant 0 : i32
      %dma_wait3A_75 = tpu.memref_slice %arg3[%add3A, %dma_wait3A_73, %dma_wait3A_74] : memref<32x4x64xi32, #tpu.memory_space<hbm>> -> memref<1x4x64xi32, #tpu.memory_space<hbm>>
      %dma_wait3A_76 = tpu.memref_squeeze %dma_wait3A_75 : memref<1x4x64xi32, #tpu.memory_space<hbm>> -> memref<4x64xi32, #tpu.memory_space<hbm>>
      %dma_wait3A_77 = arith.constant 0 : i32
      %dma_wait3A_78 = arith.constant 0 : i32
      %dma_wait3A_79 = tpu.memref_slice %arg3[%add3A, %dma_wait3A_77, %dma_wait3A_78] : memref<32x4x64xi32, #tpu.memory_space<hbm>> -> memref<1x4x64xi32, #tpu.memory_space<hbm>>
      %dma_wait3A_80 = tpu.memref_squeeze %dma_wait3A_79 : memref<1x4x64xi32, #tpu.memory_space<hbm>> -> memref<4x64xi32, #tpu.memory_space<hbm>>
      tpu.wait_dma2 semaphore(%run_scoped3A : memref<!tpu.dma_semaphore, #tpu.memory_space<semaphore_mem>>) src(%dma_wait3A_80 : memref<4x64xi32, #tpu.memory_space<hbm>>) dst(%arg5 : memref<4x64xi32, #tpu.memory_space<vmem>>)
      tpu.yield
    }) : () -> ()
    %dma_start3A = arith.constant 0 : i32
    %dma_start3A_3 = arith.constant 0 : i32
    %dma_start3A_4 = tpu.memref_slice %arg5[%dma_start3A, %dma_start3A_3] : memref<4x64xi32, #tpu.memory_space<vmem>> -> memref<1x64xi32, #tpu.memory_space<vmem>>
    %dma_start3A_5 = tpu.memref_squeeze %dma_start3A_4 : memref<1x64xi32, #tpu.memory_space<vmem>> -> memref<64xi32, #tpu.memory_space<vmem>>
    %dma_start3A_6 = arith.constant 0 : i32
    %dma_start3A_7 = arith.constant 0 : i32
    %dma_start3A_8 = tpu.memref_slice %arg2[%dma_start3A_6, %dma_start3A_7] : memref<16384x1024xf32, #tpu.memory_space<hbm>> -> memref<16384x1024xf32, #tpu.memory_space<hbm>>
    tpu.enqueue_indirect_dma source(%dma_start3A_8 : memref<16384x1024xf32, #tpu.memory_space<hbm>>) target(%arg6 : memref<64x1024xf32, #tpu.memory_space<vmem>>) offsets(%dma_start3A_5 : memref<64xi32, #tpu.memory_space<vmem>>) semaphore(%arg7 : memref<!tpu.dma_semaphore, #tpu.memory_space<semaphore_mem>>)
    %dma_wait3A = arith.constant 0 : i32
    %dma_wait3A_9 = arith.constant 0 : i32
    %dma_wait3A_10 = tpu.memref_slice %arg5[%dma_wait3A, %dma_wait3A_9] : memref<4x64xi32, #tpu.memory_space<vmem>> -> memref<1x64xi32, #tpu.memory_space<vmem>>
    %dma_wait3A_11 = tpu.memref_squeeze %dma_wait3A_10 : memref<1x64xi32, #tpu.memory_space<vmem>> -> memref<64xi32, #tpu.memory_space<vmem>>
    %dma_wait3A_12 = arith.constant 0 : i32
    %dma_wait3A_13 = arith.constant 0 : i32
    %dma_wait3A_14 = tpu.memref_slice %arg2[%dma_wait3A_12, %dma_wait3A_13] : memref<16384x1024xf32, #tpu.memory_space<hbm>> -> memref<16384x1024xf32, #tpu.memory_space<hbm>>
    tpu.wait_indirect_dma semaphore(%arg7 : memref<!tpu.dma_semaphore, #tpu.memory_space<semaphore_mem>>) src(%dma_wait3A_14 : memref<16384x1024xf32, #tpu.memory_space<hbm>>) dst(%arg6 : memref<64x1024xf32, #tpu.memory_space<vmem>>)
    %add3A_15 = arith.constant 0 : i32
    %add3A_16 = arith.addi %mul3A_2, %add3A_15 : i32
    "tpu.region"() ({
      %run_scoped3A = tpu.sem_alloc : memref<!tpu.dma_semaphore, #tpu.memory_space<semaphore_mem>>
      %dma_start3A_65 = arith.constant 0 : i32
      %dma_start3A_66 = tpu.memref_slice %arg4[%add3A_16, %dma_start3A_65] : memref<8192x1024xf32, #tpu.memory_space<hbm>> -> memref<64x1024xf32, #tpu.memory_space<hbm>>
      %dma_start3A_67 = arith.constant 0 : i32
      %dma_start3A_68 = tpu.memref_slice %arg4[%add3A_16, %dma_start3A_67] : memref<8192x1024xf32, #tpu.memory_space<hbm>> -> memref<64x1024xf32, #tpu.memory_space<hbm>>
      tpu.enqueue_dma source(%arg6 : memref<64x1024xf32, #tpu.memory_space<vmem>>) target(%dma_start3A_68 : memref<64x1024xf32, #tpu.memory_space<hbm>>) target_semaphore(%run_scoped3A : memref<!tpu.dma_semaphore, #tpu.memory_space<semaphore_mem>>)
      %dma_wait3A_69 = arith.constant 0 : i32
      %dma_wait3A_70 = tpu.memref_slice %arg4[%add3A_16, %dma_wait3A_69] : memref<8192x1024xf32, #tpu.memory_space<hbm>> -> memref<64x1024xf32, #tpu.memory_space<hbm>>
      %dma_wait3A_71 = arith.constant 0 : i32
      %dma_wait3A_72 = tpu.memref_slice %arg4[%add3A_16, %dma_wait3A_71] : memref<8192x1024xf32, #tpu.memory_space<hbm>> -> memref<64x1024xf32, #tpu.memory_space<hbm>>
      tpu.wait_dma2 semaphore(%run_scoped3A : memref<!tpu.dma_semaphore, #tpu.memory_space<semaphore_mem>>) src(%arg6 : memref<64x1024xf32, #tpu.memory_space<vmem>>) dst(%dma_wait3A_72 : memref<64x1024xf32, #tpu.memory_space<hbm>>)
      tpu.yield
    }) : () -> ()
    %dma_start3A_17 = arith.constant 1 : i32
    %dma_start3A_18 = arith.constant 0 : i32
    %dma_start3A_19 = tpu.memref_slice %arg5[%dma_start3A_17, %dma_start3A_18] : memref<4x64xi32, #tpu.memory_space<vmem>> -> memref<1x64xi32, #tpu.memory_space<vmem>>
    %dma_start3A_20 = tpu.memref_squeeze %dma_start3A_19 : memref<1x64xi32, #tpu.memory_space<vmem>> -> memref<64xi32, #tpu.memory_space<vmem>>
    %dma_start3A_21 = arith.constant 0 : i32
    %dma_start3A_22 = arith.constant 0 : i32
    %dma_start3A_23 = tpu.memref_slice %arg2[%dma_start3A_21, %dma_start3A_22] : memref<16384x1024xf32, #tpu.memory_space<hbm>> -> memref<16384x1024xf32, #tpu.memory_space<hbm>>
    tpu.enqueue_indirect_dma source(%dma_start3A_23 : memref<16384x1024xf32, #tpu.memory_space<hbm>>) target(%arg6 : memref<64x1024xf32, #tpu.memory_space<vmem>>) offsets(%dma_start3A_20 : memref<64xi32, #tpu.memory_space<vmem>>) semaphore(%arg7 : memref<!tpu.dma_semaphore, #tpu.memory_space<semaphore_mem>>)
    %dma_wait3A_24 = arith.constant 1 : i32
    %dma_wait3A_25 = arith.constant 0 : i32
    %dma_wait3A_26 = tpu.memref_slice %arg5[%dma_wait3A_24, %dma_wait3A_25] : memref<4x64xi32, #tpu.memory_space<vmem>> -> memref<1x64xi32, #tpu.memory_space<vmem>>
    %dma_wait3A_27 = tpu.memref_squeeze %dma_wait3A_26 : memref<1x64xi32, #tpu.memory_space<vmem>> -> memref<64xi32, #tpu.memory_space<vmem>>
    %dma_wait3A_28 = arith.constant 0 : i32
    %dma_wait3A_29 = arith.constant 0 : i32
    %dma_wait3A_30 = tpu.memref_slice %arg2[%dma_wait3A_28, %dma_wait3A_29] : memref<16384x1024xf32, #tpu.memory_space<hbm>> -> memref<16384x1024xf32, #tpu.memory_space<hbm>>
    tpu.wait_indirect_dma semaphore(%arg7 : memref<!tpu.dma_semaphore, #tpu.memory_space<semaphore_mem>>) src(%dma_wait3A_30 : memref<16384x1024xf32, #tpu.memory_space<hbm>>) dst(%arg6 : memref<64x1024xf32, #tpu.memory_space<vmem>>)
    %add3A_31 = arith.constant 64 : i32
    %add3A_32 = arith.addi %mul3A_2, %add3A_31 : i32
    "tpu.region"() ({
      %run_scoped3A = tpu.sem_alloc : memref<!tpu.dma_semaphore, #tpu.memory_space<semaphore_mem>>
      %dma_start3A_65 = arith.constant 0 : i32
      %dma_start3A_66 = tpu.memref_slice %arg4[%add3A_32, %dma_start3A_65] : memref<8192x1024xf32, #tpu.memory_space<hbm>> -> memref<64x1024xf32, #tpu.memory_space<hbm>>
      %dma_start3A_67 = arith.constant 0 : i32
      %dma_start3A_68 = tpu.memref_slice %arg4[%add3A_32, %dma_start3A_67] : memref<8192x1024xf32, #tpu.memory_space<hbm>> -> memref<64x1024xf32, #tpu.memory_space<hbm>>
      tpu.enqueue_dma source(%arg6 : memref<64x1024xf32, #tpu.memory_space<vmem>>) target(%dma_start3A_68 : memref<64x1024xf32, #tpu.memory_space<hbm>>) target_semaphore(%run_scoped3A : memref<!tpu.dma_semaphore, #tpu.memory_space<semaphore_mem>>)
      %dma_wait3A_69 = arith.constant 0 : i32
      %dma_wait3A_70 = tpu.memref_slice %arg4[%add3A_32, %dma_wait3A_69] : memref<8192x1024xf32, #tpu.memory_space<hbm>> -> memref<64x1024xf32, #tpu.memory_space<hbm>>
      %dma_wait3A_71 = arith.constant 0 : i32
      %dma_wait3A_72 = tpu.memref_slice %arg4[%add3A_32, %dma_wait3A_71] : memref<8192x1024xf32, #tpu.memory_space<hbm>> -> memref<64x1024xf32, #tpu.memory_space<hbm>>
      tpu.wait_dma2 semaphore(%run_scoped3A : memref<!tpu.dma_semaphore, #tpu.memory_space<semaphore_mem>>) src(%arg6 : memref<64x1024xf32, #tpu.memory_space<vmem>>) dst(%dma_wait3A_72 : memref<64x1024xf32, #tpu.memory_space<hbm>>)
      tpu.yield
    }) : () -> ()
    %dma_start3A_33 = arith.constant 2 : i32
    %dma_start3A_34 = arith.constant 0 : i32
    %dma_start3A_35 = tpu.memref_slice %arg5[%dma_start3A_33, %dma_start3A_34] : memref<4x64xi32, #tpu.memory_space<vmem>> -> memref<1x64xi32, #tpu.memory_space<vmem>>
    %dma_start3A_36 = tpu.memref_squeeze %dma_start3A_35 : memref<1x64xi32, #tpu.memory_space<vmem>> -> memref<64xi32, #tpu.memory_space<vmem>>
    %dma_start3A_37 = arith.constant 0 : i32
    %dma_start3A_38 = arith.constant 0 : i32
    %dma_start3A_39 = tpu.memref_slice %arg2[%dma_start3A_37, %dma_start3A_38] : memref<16384x1024xf32, #tpu.memory_space<hbm>> -> memref<16384x1024xf32, #tpu.memory_space<hbm>>
    tpu.enqueue_indirect_dma source(%dma_start3A_39 : memref<16384x1024xf32, #tpu.memory_space<hbm>>) target(%arg6 : memref<64x1024xf32, #tpu.memory_space<vmem>>) offsets(%dma_start3A_36 : memref<64xi32, #tpu.memory_space<vmem>>) semaphore(%arg7 : memref<!tpu.dma_semaphore, #tpu.memory_space<semaphore_mem>>)
    %dma_wait3A_40 = arith.constant 2 : i32
    %dma_wait3A_41 = arith.constant 0 : i32
    %dma_wait3A_42 = tpu.memref_slice %arg5[%dma_wait3A_40, %dma_wait3A_41] : memref<4x64xi32, #tpu.memory_space<vmem>> -> memref<1x64xi32, #tpu.memory_space<vmem>>
    %dma_wait3A_43 = tpu.memref_squeeze %dma_wait3A_42 : memref<1x64xi32, #tpu.memory_space<vmem>> -> memref<64xi32, #tpu.memory_space<vmem>>
    %dma_wait3A_44 = arith.constant 0 : i32
    %dma_wait3A_45 = arith.constant 0 : i32
    %dma_wait3A_46 = tpu.memref_slice %arg2[%dma_wait3A_44, %dma_wait3A_45] : memref<16384x1024xf32, #tpu.memory_space<hbm>> -> memref<16384x1024xf32, #tpu.memory_space<hbm>>
    tpu.wait_indirect_dma semaphore(%arg7 : memref<!tpu.dma_semaphore, #tpu.memory_space<semaphore_mem>>) src(%dma_wait3A_46 : memref<16384x1024xf32, #tpu.memory_space<hbm>>) dst(%arg6 : memref<64x1024xf32, #tpu.memory_space<vmem>>)
    %add3A_47 = arith.constant 128 : i32
    %add3A_48 = arith.addi %mul3A_2, %add3A_47 : i32
    "tpu.region"() ({
      %run_scoped3A = tpu.sem_alloc : memref<!tpu.dma_semaphore, #tpu.memory_space<semaphore_mem>>
      %dma_start3A_65 = arith.constant 0 : i32
      %dma_start3A_66 = tpu.memref_slice %arg4[%add3A_48, %dma_start3A_65] : memref<8192x1024xf32, #tpu.memory_space<hbm>> -> memref<64x1024xf32, #tpu.memory_space<hbm>>
      %dma_start3A_67 = arith.constant 0 : i32
      %dma_start3A_68 = tpu.memref_slice %arg4[%add3A_48, %dma_start3A_67] : memref<8192x1024xf32, #tpu.memory_space<hbm>> -> memref<64x1024xf32, #tpu.memory_space<hbm>>
      tpu.enqueue_dma source(%arg6 : memref<64x1024xf32, #tpu.memory_space<vmem>>) target(%dma_start3A_68 : memref<64x1024xf32, #tpu.memory_space<hbm>>) target_semaphore(%run_scoped3A : memref<!tpu.dma_semaphore, #tpu.memory_space<semaphore_mem>>)
      %dma_wait3A_69 = arith.constant 0 : i32
      %dma_wait3A_70 = tpu.memref_slice %arg4[%add3A_48, %dma_wait3A_69] : memref<8192x1024xf32, #tpu.memory_space<hbm>> -> memref<64x1024xf32, #tpu.memory_space<hbm>>
      %dma_wait3A_71 = arith.constant 0 : i32
      %dma_wait3A_72 = tpu.memref_slice %arg4[%add3A_48, %dma_wait3A_71] : memref<8192x1024xf32, #tpu.memory_space<hbm>> -> memref<64x1024xf32, #tpu.memory_space<hbm>>
      tpu.wait_dma2 semaphore(%run_scoped3A : memref<!tpu.dma_semaphore, #tpu.memory_space<semaphore_mem>>) src(%arg6 : memref<64x1024xf32, #tpu.memory_space<vmem>>) dst(%dma_wait3A_72 : memref<64x1024xf32, #tpu.memory_space<hbm>>)
      tpu.yield
    }) : () -> ()
    %dma_start3A_49 = arith.constant 3 : i32
    %dma_start3A_50 = arith.constant 0 : i32
    %dma_start3A_51 = tpu.memref_slice %arg5[%dma_start3A_49, %dma_start3A_50] : memref<4x64xi32, #tpu.memory_space<vmem>> -> memref<1x64xi32, #tpu.memory_space<vmem>>
    %dma_start3A_52 = tpu.memref_squeeze %dma_start3A_51 : memref<1x64xi32, #tpu.memory_space<vmem>> -> memref<64xi32, #tpu.memory_space<vmem>>
    %dma_start3A_53 = arith.constant 0 : i32
    %dma_start3A_54 = arith.constant 0 : i32
    %dma_start3A_55 = tpu.memref_slice %arg2[%dma_start3A_53, %dma_start3A_54] : memref<16384x1024xf32, #tpu.memory_space<hbm>> -> memref<16384x1024xf32, #tpu.memory_space<hbm>>
    tpu.enqueue_indirect_dma source(%dma_start3A_55 : memref<16384x1024xf32, #tpu.memory_space<hbm>>) target(%arg6 : memref<64x1024xf32, #tpu.memory_space<vmem>>) offsets(%dma_start3A_52 : memref<64xi32, #tpu.memory_space<vmem>>) semaphore(%arg7 : memref<!tpu.dma_semaphore, #tpu.memory_space<semaphore_mem>>)
    %dma_wait3A_56 = arith.constant 3 : i32
    %dma_wait3A_57 = arith.constant 0 : i32
    %dma_wait3A_58 = tpu.memref_slice %arg5[%dma_wait3A_56, %dma_wait3A_57] : memref<4x64xi32, #tpu.memory_space<vmem>> -> memref<1x64xi32, #tpu.memory_space<vmem>>
    %dma_wait3A_59 = tpu.memref_squeeze %dma_wait3A_58 : memref<1x64xi32, #tpu.memory_space<vmem>> -> memref<64xi32, #tpu.memory_space<vmem>>
    %dma_wait3A_60 = arith.constant 0 : i32
    %dma_wait3A_61 = arith.constant 0 : i32
    %dma_wait3A_62 = tpu.memref_slice %arg2[%dma_wait3A_60, %dma_wait3A_61] : memref<16384x1024xf32, #tpu.memory_space<hbm>> -> memref<16384x1024xf32, #tpu.memory_space<hbm>>
    tpu.wait_indirect_dma semaphore(%arg7 : memref<!tpu.dma_semaphore, #tpu.memory_space<semaphore_mem>>) src(%dma_wait3A_62 : memref<16384x1024xf32, #tpu.memory_space<hbm>>) dst(%arg6 : memref<64x1024xf32, #tpu.memory_space<vmem>>)
    %add3A_63 = arith.constant 192 : i32
    %add3A_64 = arith.addi %mul3A_2, %add3A_63 : i32
    "tpu.region"() ({
      %run_scoped3A = tpu.sem_alloc : memref<!tpu.dma_semaphore, #tpu.memory_space<semaphore_mem>>
      %dma_start3A_65 = arith.constant 0 : i32
      %dma_start3A_66 = tpu.memref_slice %arg4[%add3A_64, %dma_start3A_65] : memref<8192x1024xf32, #tpu.memory_space<hbm>> -> memref<64x1024xf32, #tpu.memory_space<hbm>>
      %dma_start3A_67 = arith.constant 0 : i32
      %dma_start3A_68 = tpu.memref_slice %arg4[%add3A_64, %dma_start3A_67] : memref<8192x1024xf32, #tpu.memory_space<hbm>> -> memref<64x1024xf32, #tpu.memory_space<hbm>>
      tpu.enqueue_dma source(%arg6 : memref<64x1024xf32, #tpu.memory_space<vmem>>) target(%dma_start3A_68 : memref<64x1024xf32, #tpu.memory_space<hbm>>) target_semaphore(%run_scoped3A : memref<!tpu.dma_semaphore, #tpu.memory_space<semaphore_mem>>)
      %dma_wait3A_69 = arith.constant 0 : i32
      %dma_wait3A_70 = tpu.memref_slice %arg4[%add3A_64, %dma_wait3A_69] : memref<8192x1024xf32, #tpu.memory_space<hbm>> -> memref<64x1024xf32, #tpu.memory_space<hbm>>
      %dma_wait3A_71 = arith.constant 0 : i32
      %dma_wait3A_72 = tpu.memref_slice %arg4[%add3A_64, %dma_wait3A_71] : memref<8192x1024xf32, #tpu.memory_space<hbm>> -> memref<64x1024xf32, #tpu.memory_space<hbm>>
      tpu.wait_dma2 semaphore(%run_scoped3A : memref<!tpu.dma_semaphore, #tpu.memory_space<semaphore_mem>>) src(%arg6 : memref<64x1024xf32, #tpu.memory_space<vmem>>) dst(%dma_wait3A_72 : memref<64x1024xf32, #tpu.memory_space<hbm>>)
      tpu.yield
    }) : () -> ()
    return
  }
}

</mosaic_0001>

<sc_bundles>
// kernel: kernel.3.cloned.1.call-start
scs
__scs_entry_jumppad:
0x0: {  	(pc) =	sbr.rel $0x88, $3  }
0x1: {  	(tag) =	ssettag $0x0;
	lr =	simm.s32 $0x1  }
0x2: {  	[smem:$0x3FA0] =	sst lr;
	_ =	strace $0xD0000000  }
0x3: {  	_ = 	snop  }
0x4: {  	_ = 	snop  }
0x5: {  	_ = 	snop  }
0x6: {  	_ = 	snop  }
0x7: {  	_ = 	snop  }
__scs_overlays_trampoline_lowered:
0x8: {  	[smem:$0x3FAF] =	sst s0  }
0x9: {  	[smem:$0x3FB0] =	sst s1  }
0xa: {  	[smem:$0x3FB1] =	sst s2  }
0xb: {  	[smem:$0x3FB2] =	sst s3  }
0xc: {  	[smem:$0x3FB3] =	sst s4  }
0xd: {  	[smem:$0x3FB4] =	sst s5  }
0xe: {  	[smem:$0x3FB5] =	sst s6  }
0xf: {  	[smem:$0x3FB6] =	sst s7  }
0x10: {  	[smem:$0x3FB7] =	sst s8  }
0x11: {  	[smem:$0x3FB8] =	sst s9;
	s0 =	simm.s32 @!p0 $0x0  }
0x12: {  	s1 =	sld [smem:$0x3F9E];
	s0 =	simm.s32 @p0 $0x1  }
0x13: {  	[smem:$0x3FB9] =	sst s0;
	s0 =	simm.s32 @!p1 $0x0  }
0x14: {  	s2 =	sld [smem:$0x3F9D];
	s0 =	simm.s32 @p1 $0x1  }
0x15: {  	[smem:$0x3FBA] =	sst s0;
	s0 =	simm.s32 @!p2 $0x0  }
0x16: {  	s3 =	sld [smem:$0x3FDB];
	s0 =	simm.s32 @p2 $0x1  }
0x17: {  	s4 =	simm.s32 $0x1BF5;
	[smem:$0x3FBC] =	sst s0  }
0x18: {  	s0 =	sld [smem:$0x3F9F];
	_ =	swait.ge [sflag:s4], $0x0  }
0x19: {  	s7 =	sld [smem:$0x3FA0]  }
0x1a: {  	s8 =	sadd.s32 $0xFFFFE003, lr  }
0x1b: {  	s9 =	sadd.s32 $0xFFFFFEF7, lr;
	s5 =	simm.s32 $0xFFFFFFFF;
	p2 =	slt.u32 s8, $0xFFFFF086  }
0x1c: {  	p1 =	slt.u32 s9, $0xF7A;
	s5 =	simm.s32 @!p2 $0x0  }
0x1d: {  	s5 =	simm.s32 @p1 $0x1;
	p0 =	seq.s32 s7, s2  }
0x1e: {  	s7 =	smul.u32 @!p0 $0xF7A, s2;
	p2 =	seq.s32 @!p0 s5, $0x0  }
0x1f: {  	s9 =	smul.u32 $0xF7A, s1;
	s8 =	simm.s32 @!p0 $0x1BF5;
	p2 =	por !p2, p0  }
0x20: {  	[sflag:s8] =	ssyncset.s32 @!p0 $0xFFFFF086;
	s6 =	sadd.s32 @!p0 s3, s7;
	s7 =	simm.s32 @!p0 $0x108  }
0x21: {  	s3 =	sadd.s32 s3, s9;
	s6 =	sadd.s32 @!p0 $0x88, s6;
	s7 =	simm.s32 @p2 $0x1082  }
0x22: {  	[simem:s7], [sflag:s8] =	dma.local @!p0 [hbm:s6], $0xF7A  }
0x23: {  	s9 =	sor.u32 $0xD0000000, s2;
	s6 =	simm.s32 $0x108;
	_ =	swait.ge @!p0 [sflag:s8], $0x0  }
0x24: {  	s3 =	sadd.s32 $0x88, s3;
	s6 =	simm.s32 @!p1 $0x1082;
	[sflag:s4] =	ssyncset.s32 $0xFFFFF086  }
0x25: {  	[simem:s6], [sflag:s4] =	dma.local [hbm:s3], $0xF7A  }
0x26: {  	[smem:$0x3FA0] =	sst s1;
	(tag) =	ssettag s2;
	_ =	strace s9  }
0x27: {  	s1 =	sld [smem:$0x3FB0]  }
0x28: {  	s2 =	sld [smem:$0x3FB1]  }
0x29: {  	s4 =	sld [smem:$0x3FB3]  }
0x2a: {  	p0 =	seq.s32 s5, $0x0;
	s5 =	sld [smem:$0x3FB4]  }
0x2b: {  	s6 =	sld [smem:$0x3FB5]  }
0x2c: {  	s7 =	sld [smem:$0x3FB6]  }
0x2d: {  	s3 =	simm.s32 $0x108;
	s8 =	sld [smem:$0x3FB7]  }
0x2e: {  	s3 =	simm.s32 @!p0 $0x1082;
	s9 =	sld [smem:$0x3FB8]  }
0x2f: {  	lr =	sadd.s32 s0, s3;
	s0 =	sld [smem:$0x3FAF]  }
0x30: {  	s3 =	sld [smem:$0x3FB2]  }
0x31: {  	[smem:$0x3FBB] =	sst s10  }
0x32: {  	s10 =	sld [smem:$0x3FB9];
	_ =	sdelay $0x3  }
0x33: {  	p0 =	seq.s32 s10, $0x1;
	s10 =	sld [smem:$0x3FBB];
	_ =	sdelay $0x3  }
0x34: {  	[smem:$0x3FBB] =	sst s10  }
0x35: {  	s10 =	sld [smem:$0x3FBA];
	_ =	sdelay $0x3  }
0x36: {  	p1 =	seq.s32 s10, $0x1;
	s10 =	sld [smem:$0x3FBB];
	_ =	sdelay $0x3  }
0x37: {  	[smem:$0x3FBB] =	sst s10  }
0x38: {  	s10 =	sld [smem:$0x3FBC]  }
0x39: {  	_ = 	snop;
	(pc) =	sbr.ind lr, $3  }
0x3a: {  	_ = 	snop  }
0x3b: {  	_ = 	snop  }
0x3c: {  	p2 =	seq.s32 s10, $0x1;
	s10 =	sld [smem:$0x3FBB]  }
0x3d: {  	_ =	shalt  }
0x3e: {  	_ =	shalt  }
0x3f: {  	_ =	shalt  }
0x40: {  	_ =	shalt  }
0x41: {  	_ =	shalt  }
0x42: {  	_ =	shalt  }
0x43: {  	_ =	shalt  }
0x44: {  	_ =	shalt  }
0x45: {  	_ =	shalt  }
0x46: {  	_ =	shalt  }
0x47: {  	_ =	shalt  }
0x48: {  	_ =	shalt  }
0x49: {  	_ =	shalt  }
0x4a: {  	_ =	shalt  }
0x4b: {  	_ =	shalt  }
0x4c: {  	_ =	shalt  }
0x4d: {  	_ =	shalt  }
0x4e: {  	_ =	shalt  }
0x4f: {  	_ =	shalt  }
0x50: {  	_ =	shalt  }
0x51: {  	_ =	shalt  }
0x52: {  	_ =	shalt  }
0x53: {  	_ =	shalt  }
0x54: {  	_ =	shalt  }
0x55: {  	_ =	shalt  }
0x56: {  	_ =	shalt  }
0x57: {  	_ =	shalt  }
0x58: {  	_ =	shalt  }
0x59: {  	_ =	shalt  }
0x5a: {  	_ =	shalt  }
0x5b: {  	_ =	shalt  }
0x5c: {  	_ =	shalt  }
0x5d: {  	_ =	shalt  }
0x5e: {  	_ =	shalt  }
0x5f: {  	_ =	shalt  }
0x60: {  	_ =	shalt  }
0x61: {  	_ =	shalt  }
0x62: {  	_ =	shalt  }
0x63: {  	_ =	shalt  }
0x64: {  	_ =	shalt  }
0x65: {  	_ =	shalt  }
0x66: {  	_ =	shalt  }
0x67: {  	_ =	shalt  }
0x68: {  	_ =	shalt  }
0x69: {  	_ =	shalt  }
0x6a: {  	_ =	shalt  }
0x6b: {  	_ =	shalt  }
0x6c: {  	_ =	shalt  }
0x6d: {  	_ =	shalt  }
0x6e: {  	_ =	shalt  }
0x6f: {  	_ =	shalt  }
0x70: {  	_ =	shalt  }
0x71: {  	_ =	shalt  }
0x72: {  	_ =	shalt  }
0x73: {  	_ =	shalt  }
0x74: {  	_ =	shalt  }
0x75: {  	_ =	shalt  }
0x76: {  	_ =	shalt  }
0x77: {  	_ =	shalt  }
0x78: {  	_ =	shalt  }
0x79: {  	_ =	shalt  }
0x7a: {  	_ =	shalt  }
0x7b: {  	_ =	shalt  }
0x7c: {  	_ =	shalt  }
0x7d: {  	_ =	shalt  }
0x7e: {  	_ =	shalt  }
0x7f: {  	_ =	shalt  }
0x80: {  	_ =	shalt  }
0x81: {  	_ =	shalt  }
0x82: {  	_ =	shalt  }
0x83: {  	_ =	shalt  }
0x84: {  	_ =	shalt  }
0x85: {  	_ =	shalt  }
0x86: {  	_ =	shalt  }
0x87: {  	_ =	shalt  }
.Lfunc_end0:
.L_simem_size_0:
called_computation_lowered:
.L_overlay_start_0:
0x88: {  	s2 =	sld [smem:$0x3FD9]  }
0x89: {  	s3 =	sld [smem:$0x3FFE];
	_ =	sdelay $0x1  }
0x8a: {  	s1 =	srdreg.scid  }
0x8b: {  	s0 =	sand.u32 $0x1, s1  }
0x8c: {  	s17 =	sshll.u32 s0, $0xA;
	s2 =	sadd.s32 s3, s2  }
0x8d: {  	s2 =	sadd.s32 s2, s17  }
0x8e: {  	[smem:$0x3FC7] =	sst s2  }
0x8f: {  	_ = 	snop  }
0x90: {  	s2 =	sld [smem:$0x3FC9]  }
0x91: {  	s18 =	sld [smem:$0x3FD0];
	(tm) =	ssettm $0x1  }
0x92: {  	s4 =	sld [smem:$0x3FFB];
	_ =	sdelay $0x3  }
0x93: {  	_ =	strace s4  }
0x94: {  	s4 =	sld [smem:$0x3FFC];
	_ =	sdelay $0x3  }
0x95: {  	_ =	strace s4  }
0x96: {  	s4 =	sld [smem:$0x3FFD];
	_ =	sdelay $0x3  }
0x97: {  	_ =	strace s4  }
0x98: {  	_ =	strace $0x8FFFFFFF  }
0x99: {  	s19 =	sld [smem:$0x3FDB];
	_ =	sdelay $0x1  }
0x9a: {  	s5 =	simm.s32 $_scs_section_size  }
0x9b: {  	s6 =	simm.s32 $_size__tile_overlayer_lowered;
	s7 =	simm.s32 $_tile_overlayer_lowered  }
0x9c: {  	s22 =	simm.s32 $0x1BFF;
	s21 =	sshll.u32 s7, $0x1;
	s4 =	sadd.s32 s5, s19  }
0x9d: {  	s8 =	simm.s32 $0x0;
	s20 =	sshll.u32 s6, $0x1;
	s6 =	sadd.s32 s21, s4  }
0x9e: {  	[timem:s8], [sflag:s22] =	dma.local [hbm:s6], s20  }
0x9f: {  	_ =	swait.ge [sflag:s22], s20  }
0xa0: {  	s5 =	ssub.s32 $0x0, s20;
	[sflag:s22] =	ssyncset.done $0x0  }
0xa1: {  	[sflag:s22] =	ssyncadd.s32 s5;
	_ =	sdelay $0x1  }
0xa2: {  	s23 =	simm.s32 $0x1B8B  }
0xa3: {  	_ =	swait.ge [sflag:s23], $0x1  }
0xa4: {  	[sflag:s23] =	ssyncset.done $0x0  }
0xa5: {  	s25 =	simm.s32 $0x1B8E;
	s24 =	sld [smem:$0x3FFE];
	[sflag:s23] =	ssyncadd.s32 $0xFFFFFFFF  }
0xa6: {  	s26 =	simm.s32 $execute0_lowered;
	[smem:$0x3FD2] =	sst s25  }
0xa7: {  	s6 =	sshll.u32 s26, $0x1;
	_ =	strace $0x80000046;
	[dreg:$0x1] =	wrdreg $0xFFFFFFFF  }
0xa8: {  	s28 =	simm.s32 $_size_execute0_lowered;
	s4 =	sadd.s32 s4, s6;
	[dreg:$0x0] =	wrdreg $0x0  }
0xa9: {  	s6 =	sshll.u32 s28, $0x1;
	[dreg:$0x2] =	wrdreg s4  }
0xaa: {  	[dreg:$0x3] =	wrdreg s6  }
0xab: {  	[dreg:$0x4] =	wrdreg $0xC0  }
0xac: {  	_ =	task [dreg:s8], $0x5FFFF  }
0xad: {  	[dreg:$0x1] =	wrdreg $0xFFFFFFFF  }
0xae: {  	[dreg:$0x0] =	wrdreg $0x60  }
0xaf: {  	[dreg:$0x2] =	wrdreg s2  }
0xb0: {  	[dreg:$0x3] =	wrdreg s24  }
0xb1: {  	[dreg:$0x4] =	wrdreg s18  }
0xb2: {  	[dreg:$0x5] =	wrdreg $0x9  }
0xb3: {  	_ =	task.clear_ibuf [dreg:s8], $0x6FFFF;
	_ =	strace $0x90000046  }
0xb4: {  	s29 =	simm.s32 $0x9;
	_ =	strace $0x80000048  }
0xb5: {  	_ =	swait.ge [sflag:s29], $0x1  }
0xb6: {  	[sflag:s29] =	ssyncadd.s32 $0xFFFFFFFF  }
0xb7: {  	_ =	strace $0x90000048  }
0xb8: {  	_ =	sfence  }
0xb9: {  	s30 =	sld [smem:$0x0];
	_ =	sdelay $0x2  }
0xba: {  	s31 =	sshll.u32 s1, $0xD;
	s1 =	sshrl.u32 s1, $0x2  }
0xbb: {  	s3 =	sand.u32 $0x4000, s31;
	s1 =	sadd.s32 s1, s30  }
0xbc: {  	s0 =	sor.u32 s3, s0;
	s1 =	sshll.u32 s1, $0x11  }
0xbd: {  	s0 =	sor.u32 s1, s0  }
0xbe: {  	s0 =	sadd.s32 $0x8F2B, s0  }
0xbf: {  	[sflag:s0] =	ssyncadd.remote.s32 $0x1  }
0xc0: {  	_ =	sfence.sel $0xFFFF  }
0xc1: {  	[dreg:$0x0] =	wrdreg $0xFFFFFFFF;
	(pc) =	sbr.abs _section_cstart, $3  }
0xc2: {  	[dreg:$0x1] =	wrdreg $0xFFFFFFFF  }
0xc3: {  	_ =	task.clear_ibuf [dreg:s8], $0x2FFFF;
	_ =	strace $0x9FFFFFFF  }
0xc4: {  	(tm) =	ssettm $0x7FFFFFFF  }
0xc5: {  	_ =	shalt  }
tec
execute0_lowered:
.L_overlay_start_1:
0x0: {  	(tag) =	ssettag $0x1  }
0x1: {  	s1 =	rddreg [dreg:$0x0]  }
0x2: {  	s0 =	rddreg [dreg:$0x1]  }
0x3: {  	s2 =	rddreg [dreg:$0x2]  }
0x4: {  	s3 =	simm.s32 $0x0;
	s4 =	srdreg.scid;
	s5 =	stileid.u32  }
0x5: {  	s9 =	simm.s32 $0x2;
	s4 =	sand.u32 $0x1, s4;
	s5 =	sshll.u32 s5, $0x1  }
0x6: {  	s24 =	simm.s32 $0x200;
	s6 =	ssub.s32 $0x2, s4;
	s4 =	sor.u32 s4, s5  }
0x7: {  	s19 =	simm.s32 $0x1;
	[smem:$0x7FF] =	sst s3;
	s7 =	sshll.u32 s4, $0x6  }
0x8: {  	_ =	strace $0x80000047;
	s4 =	sshll.u32 s4, $0xF;
	s0 =	sadd.s32 s0, s7  }
0x9: {  	s5 =	sadd.s32 $0x100, s1;
	s2 =	sadd.s32 s2, s4;
	[dreg:$0x4] =	wrdreg s0  }
0xa: {  	s28 =	sshrl.u32 s6, $0x1;
	s29 =	sadd.s32 $0x2000, s2;
	[dreg:$0x8] =	wrdreg s2  }
0xb: {  	v2 =	vlaneseq.u32;
	s8 =	ssub.s32 s6, s28;
	s30 =	sadd.s32 $0x4000, s2;
	[dreg:$0x5] =	wrdreg s29  }
0xc: {  	vm0 =	vmmov $0xffff;
	v1 =	vshrl.u32 v2, $0x3;
	s6 =	sadd.s32 $0x200, s1;
	s31 =	sadd.s32 $0x6000, s2;
	[dreg:$0x6] =	wrdreg s30  }
0xd: {  	v0 =	vand.u32 $0x7, v2;
	v2 =	vor.u32 $0x8, v2;
	v1 =	vmul.u32 $0x8, v1;
	s7 =	sadd.s32 $0x300, s1;
	s8 =	smax.u32 s8, $0x1;
	[dreg:$0x7] =	wrdreg s31  }
.LBB2_1:
0xe: {  	s20 =	rddreg [dreg:$0x4]  }
0xf: {  	[tilespmem:s3], [sflag:$0x2] =	stream.linear.gather [hbm4b:s20+s3], $0x200, $0x38;
	[tilespmem:$0x10200] =	vst v63  }
0x10: {  	_ =	swait.ge [sflag:s9], $0x200  }
0x11: {  	[sflag:s9] =	ssyncset.done $0x0  }
0x12: {  	[sflag:s9] =	ssyncadd.s32 $0xFFFFFE00  }
0x13: {  	v3 =	vld [tilespmem:$0x0];
	_ =	sdelay $0x4  }
0x14: {  	v4 =	vshll.u32 v3, $0x3  }
0x15: {  	v3 =	vand.u32 $0x7, v3;
	v4 =	vand.u32 $0xFFFFFFC0, v4  }
0x16: {  	v3 =	vor.u32 v3, v4  }
0x17: {  	v4 =	vperm.xlane v3, v0;
	_ =	sdelay $0x1  }
0x18: {  	v4 =	vadd.s32 v1, v4;
	_ =	sdelay $0x4  }
0x19: {  	[tilespmem:s24], [sflag:$0x1] =	stream.indirect_vreg.gather [hbm4b:s1+s3], $0x80, v4, vm0, $0xb8;
	[tilespmem:$0x10200] =	vst v63  }
0x1a: {  	s0 =	simm.s32 $0xA00;
	v3 =	vperm.xlane v3, v2  }
0x1b: {  	[tilespmem:s0], [sflag:$0x1] =	stream.indirect_vreg.gather [hbm4b:s5+s3], $0x80, v4, vm0, $0xb8;
	[tilespmem:$0x10200] =	vst v63  }
0x1c: {  	s4 =	simm.s32 $0x1200;
	v3 =	vadd.s32 v1, v3  }
0x1d: {  	[tilespmem:s4], [sflag:$0x1] =	stream.indirect_vreg.gather [hbm4b:s6+s3], $0x80, v4, vm0, $0xb8;
	[tilespmem:$0x10200] =	vst v63  }
0x1e: {  	s10 =	simm.s32 $0x1A00  }
0x1f: {  	[tilespmem:s10], [sflag:$0x1] =	stream.indirect_vreg.gather [hbm4b:s7+s3], $0x80, v4, vm0, $0xb8;
	[tilespmem:$0x10200] =	vst v63  }
0x20: {  	s11 =	simm.s32 $0x2200  }
0x21: {  	[tilespmem:s11], [sflag:$0x1] =	stream.indirect_vreg.gather [hbm4b:s1+s3], $0x80, v3, vm0, $0xb8;
	[tilespmem:$0x10200] =	vst v63  }
0x22: {  	s12 =	simm.s32 $0x2A00  }
0x23: {  	[tilespmem:s12], [sflag:$0x1] =	stream.indirect_vreg.gather [hbm4b:s5+s3], $0x80, v3, vm0, $0xb8;
	[tilespmem:$0x10200] =	vst v63  }
0x24: {  	s13 =	simm.s32 $0x3200  }
0x25: {  	[tilespmem:s13], [sflag:$0x1] =	stream.indirect_vreg.gather [hbm4b:s6+s3], $0x80, v3, vm0, $0xb8;
	[tilespmem:$0x10200] =	vst v63  }
0x26: {  	s15 =	simm.s32 $0x3A00  }
0x27: {  	[tilespmem:s15], [sflag:$0x1] =	stream.indirect_vreg.gather [hbm4b:s7+s3], $0x80, v3, vm0, $0xb8;
	[tilespmem:$0x10200] =	vst v63  }
0x28: {  	v3 =	vld [tilespmem:$0x10];
	_ =	sdelay $0x4  }
0x29: {  	v49 =	vshll.u32 v3, $0x3  }
0x2a: {  	v3 =	vand.u32 $0x7, v3;
	v4 =	vand.u32 $0xFFFFFFC0, v49  }
0x2b: {  	v3 =	vor.u32 v3, v4  }
0x2c: {  	v4 =	vperm.xlane v3, v0;
	_ =	sdelay $0x1  }
0x2d: {  	v4 =	vadd.s32 v1, v4;
	_ =	sdelay $0x3  }
0x2e: {  	s16 =	simm.s32 $0x4200  }
0x2f: {  	[tilespmem:s16], [sflag:$0x1] =	stream.indirect_vreg.gather [hbm4b:s1+s3], $0x80, v4, vm0, $0xb8;
	[tilespmem:$0x10200] =	vst v63  }
0x30: {  	s17 =	simm.s32 $0x4A00;
	v3 =	vperm.xlane v3, v2  }
0x31: {  	[tilespmem:s17], [sflag:$0x1] =	stream.indirect_vreg.gather [hbm4b:s5+s3], $0x80, v4, vm0, $0xb8;
	[tilespmem:$0x10200] =	vst v63  }
0x32: {  	s18 =	simm.s32 $0x5200;
	v3 =	vadd.s32 v1, v3  }
0x33: {  	[tilespmem:s18], [sflag:$0x1] =	stream.indirect_vreg.gather [hbm4b:s6+s3], $0x80, v4, vm0, $0xb8;
	[tilespmem:$0x10200] =	vst v63  }
0x34: {  	s20 =	simm.s32 $0x5A00  }
0x35: {  	[tilespmem:s20], [sflag:$0x1] =	stream.indirect_vreg.gather [hbm4b:s7+s3], $0x80, v4, vm0, $0xb8;
	[tilespmem:$0x10200] =	vst v63  }
0x36: {  	s21 =	simm.s32 $0x6200  }
0x37: {  	[tilespmem:s21], [sflag:$0x1] =	stream.indirect_vreg.gather [hbm4b:s1+s3], $0x80, v3, vm0, $0xb8;
	[tilespmem:$0x10200] =	vst v63  }
0x38: {  	s22 =	simm.s32 $0x6A00  }
0x39: {  	[tilespmem:s22], [sflag:$0x1] =	stream.indirect_vreg.gather [hbm4b:s5+s3], $0x80, v3, vm0, $0xb8;
	[tilespmem:$0x10200] =	vst v63  }
0x3a: {  	s23 =	simm.s32 $0x7200  }
0x3b: {  	[tilespmem:s23], [sflag:$0x1] =	stream.indirect_vreg.gather [hbm4b:s6+s3], $0x80, v3, vm0, $0xb8;
	[tilespmem:$0x10200] =	vst v63  }
0x3c: {  	s25 =	simm.s32 $0x7A00  }
0x3d: {  	[tilespmem:s25], [sflag:$0x1] =	stream.indirect_vreg.gather [hbm4b:s7+s3], $0x80, v3, vm0, $0xb8;
	[tilespmem:$0x10200] =	vst v63  }
0x3e: {  	v3 =	vld [tilespmem:$0x20];
	_ =	sdelay $0x4  }
0x3f: {  	v50 =	vshll.u32 v3, $0x3  }
0x40: {  	v3 =	vand.u32 $0x7, v3;
	v4 =	vand.u32 $0xFFFFFFC0, v50  }
0x41: {  	v3 =	vor.u32 v3, v4  }
0x42: {  	v4 =	vperm.xlane v3, v0;
	_ =	sdelay $0x1  }
0x43: {  	v4 =	vadd.s32 v1, v4;
	_ =	sdelay $0x3  }
0x44: {  	s26 =	simm.s32 $0x8200  }
0x45: {  	[tilespmem:s26], [sflag:$0x1] =	stream.indirect_vreg.gather [hbm4b:s1+s3], $0x80, v4, vm0, $0xb8;
	[tilespmem:$0x10200] =	vst v63  }
0x46: {  	s28 =	simm.s32 $0x8A00;
	v3 =	vperm.xlane v3, v2  }
0x47: {  	[tilespmem:s28], [sflag:$0x1] =	stream.indirect_vreg.gather [hbm4b:s5+s3], $0x80, v4, vm0, $0xb8;
	[tilespmem:$0x10200] =	vst v63  }
0x48: {  	s29 =	simm.s32 $0x9200;
	v3 =	vadd.s32 v1, v3  }
0x49: {  	[tilespmem:s29], [sflag:$0x1] =	stream.indirect_vreg.gather [hbm4b:s6+s3], $0x80, v4, vm0, $0xb8;
	[tilespmem:$0x10200] =	vst v63  }
0x4a: {  	s30 =	simm.s32 $0x9A00  }
0x4b: {  	[tilespmem:s30], [sflag:$0x1] =	stream.indirect_vreg.gather [hbm4b:s7+s3], $0x80, v4, vm0, $0xb8;
	[tilespmem:$0x10200] =	vst v63  }
0x4c: {  	s31 =	simm.s32 $0xA200  }
0x4d: {  	[tilespmem:s31], [sflag:$0x1] =	stream.indirect_vreg.gather [hbm4b:s1+s3], $0x80, v3, vm0, $0xb8;
	[tilespmem:$0x10200] =	vst v63  }
0x4e: {  	s16 =	simm.s32 $0xAA00  }
0x4f: {  	[tilespmem:s16], [sflag:$0x1] =	stream.indirect_vreg.gather [hbm4b:s5+s3], $0x80, v3, vm0, $0xb8;
	[tilespmem:$0x10200] =	vst v63  }
0x50: {  	s18 =	simm.s32 $0xB200  }
0x51: {  	[tilespmem:s18], [sflag:$0x1] =	stream.indirect_vreg.gather [hbm4b:s6+s3], $0x80, v3, vm0, $0xb8;
	[tilespmem:$0x10200] =	vst v63  }
0x52: {  	s21 =	simm.s32 $0xBA00  }
0x53: {  	[tilespmem:s21], [sflag:$0x1] =	stream.indirect_vreg.gather [hbm4b:s7+s3], $0x80, v3, vm0, $0xb8;
	[tilespmem:$0x10200] =	vst v63  }
0x54: {  	v3 =	vld [tilespmem:$0x30];
	_ =	sdelay $0x4  }
0x55: {  	v51 =	vshll.u32 v3, $0x3  }
0x56: {  	v3 =	vand.u32 $0x7, v3;
	v4 =	vand.u32 $0xFFFFFFC0, v51  }
0x57: {  	v3 =	vor.u32 v3, v4  }
0x58: {  	v4 =	vperm.xlane v3, v0;
	_ =	sdelay $0x1  }
0x59: {  	v4 =	vadd.s32 v1, v4;
	_ =	sdelay $0x3  }
0x5a: {  	s22 =	simm.s32 $0xC200  }
0x5b: {  	[tilespmem:s22], [sflag:$0x1] =	stream.indirect_vreg.gather [hbm4b:s1+s3], $0x80, v4, vm0, $0xb8;
	[tilespmem:$0x10200] =	vst v63  }
0x5c: {  	s23 =	simm.s32 $0xCA00;
	v3 =	vperm.xlane v3, v2  }
0x5d: {  	[tilespmem:s23], [sflag:$0x1] =	stream.indirect_vreg.gather [hbm4b:s5+s3], $0x80, v4, vm0, $0xb8;
	[tilespmem:$0x10200] =	vst v63  }
0x5e: {  	s25 =	simm.s32 $0xD200;
	v3 =	vadd.s32 v1, v3  }
0x5f: {  	[tilespmem:s25], [sflag:$0x1] =	stream.indirect_vreg.gather [hbm4b:s6+s3], $0x80, v4, vm0, $0xb8;
	[tilespmem:$0x10200] =	vst v63  }
0x60: {  	s26 =	simm.s32 $0xDA00  }
0x61: {  	[tilespmem:s26], [sflag:$0x1] =	stream.indirect_vreg.gather [hbm4b:s7+s3], $0x80, v4, vm0, $0xb8;
	[tilespmem:$0x10200] =	vst v63  }
0x62: {  	s28 =	simm.s32 $0xE200  }
0x63: {  	[tilespmem:s28], [sflag:$0x1] =	stream.indirect_vreg.gather [hbm4b:s1+s3], $0x80, v3, vm0, $0xb8;
	[tilespmem:$0x10200] =	vst v63  }
0x64: {  	s29 =	simm.s32 $0xEA00  }
0x65: {  	[tilespmem:s29], [sflag:$0x1] =	stream.indirect_vreg.gather [hbm4b:s5+s3], $0x80, v3, vm0, $0xb8;
	[tilespmem:$0x10200] =	vst v63  }
0x66: {  	s30 =	simm.s32 $0xF200  }
0x67: {  	[tilespmem:s30], [sflag:$0x1] =	stream.indirect_vreg.gather [hbm4b:s6+s3], $0x80, v3, vm0, $0xb8;
	[tilespmem:$0x10200] =	vst v63  }
0x68: {  	s0 =	simm.s32 $0xFA00  }
0x69: {  	[tilespmem:s0], [sflag:$0x1] =	stream.indirect_vreg.gather [hbm4b:s7+s3], $0x80, v3, vm0, $0xb8;
	[tilespmem:$0x10200] =	vst v63  }
0x6a: {  	_ =	swait.ge [sflag:s19], $0x10000  }
0x6b: {  	[sflag:s19] =	ssyncset.done $0x0  }
0x6c: {  	s16 =	rddreg [dreg:$0x8];
	[sflag:s19] =	ssyncadd.s32 $0xFFFF0000  }
0x6d: {  	[hbm4b:s16+s3] =	stream.linear.scatter [tilespmem:s24], [sflag:$0x2], $0x10000, $0x38;
	[tilespmem:$0x10200] =	vst v63  }
0x6e: {  	_ =	swait.ge [sflag:s9], $0x10000  }
0x6f: {  	[sflag:s9] =	ssyncset.done $0x0  }
0x70: {  	[sflag:s9] =	ssyncadd.s32 $0xFFFF0000  }
0x71: {  	v3 =	vld [tilespmem:$0x80];
	_ =	sdelay $0x4  }
0x72: {  	v52 =	vshll.u32 v3, $0x3  }
0x73: {  	v3 =	vand.u32 $0x7, v3;
	v4 =	vand.u32 $0xFFFFFFC0, v52  }
0x74: {  	v3 =	vor.u32 v3, v4  }
0x75: {  	v4 =	vperm.xlane v3, v0;
	_ =	sdelay $0x1  }
0x76: {  	v4 =	vadd.s32 v1, v4;
	_ =	sdelay $0x4  }
0x77: {  	[tilespmem:s24], [sflag:$0x1] =	stream.indirect_vreg.gather [hbm4b:s1+s3], $0x80, v4, vm0, $0xb8;
	[tilespmem:$0x10200] =	vst v63  }
0x78: {  	s14 =	simm.s32 $0xA00;
	v3 =	vperm.xlane v3, v2  }
0x79: {  	[tilespmem:s14], [sflag:$0x1] =	stream.indirect_vreg.gather [hbm4b:s5+s3], $0x80, v4, vm0, $0xb8;
	[tilespmem:$0x10200] =	vst v63  }
0x7a: {  	s2 =	simm.s32 $0x1200;
	v3 =	vadd.s32 v1, v3  }
0x7b: {  	[tilespmem:s2], [sflag:$0x1] =	stream.indirect_vreg.gather [hbm4b:s6+s3], $0x80, v4, vm0, $0xb8;
	[tilespmem:$0x10200] =	vst v63  }
0x7c: {  	s4 =	simm.s32 $0x1A00  }
0x7d: {  	[tilespmem:s4], [sflag:$0x1] =	stream.indirect_vreg.gather [hbm4b:s7+s3], $0x80, v4, vm0, $0xb8;
	[tilespmem:$0x10200] =	vst v63  }
0x7e: {  	s10 =	simm.s32 $0x2200  }
0x7f: {  	[tilespmem:s10], [sflag:$0x1] =	stream.indirect_vreg.gather [hbm4b:s1+s3], $0x80, v3, vm0, $0xb8;
	[tilespmem:$0x10200] =	vst v63  }
0x80: {  	s11 =	simm.s32 $0x2A00  }
0x81: {  	[tilespmem:s11], [sflag:$0x1] =	stream.indirect_vreg.gather [hbm4b:s5+s3], $0x80, v3, vm0, $0xb8;
	[tilespmem:$0x10200] =	vst v63  }
0x82: {  	s12 =	simm.s32 $0x3200  }
0x83: {  	[tilespmem:s12], [sflag:$0x1] =	stream.indirect_vreg.gather [hbm4b:s6+s3], $0x80, v3, vm0, $0xb8;
	[tilespmem:$0x10200] =	vst v63  }
0x84: {  	s15 =	simm.s32 $0x3A00  }
0x85: {  	[tilespmem:s15], [sflag:$0x1] =	stream.indirect_vreg.gather [hbm4b:s7+s3], $0x80, v3, vm0, $0xb8;
	[tilespmem:$0x10200] =	vst v63  }
0x86: {  	v3 =	vld [tilespmem:$0x90];
	_ =	sdelay $0x4  }
0x87: {  	v53 =	vshll.u32 v3, $0x3  }
0x88: {  	v3 =	vand.u32 $0x7, v3;
	v4 =	vand.u32 $0xFFFFFFC0, v53  }
0x89: {  	v3 =	vor.u32 v3, v4  }
0x8a: {  	v4 =	vperm.xlane v3, v0;
	_ =	sdelay $0x1  }
0x8b: {  	v4 =	vadd.s32 v1, v4;
	_ =	sdelay $0x3  }
0x8c: {  	s16 =	simm.s32 $0x4200  }
0x8d: {  	[tilespmem:s16], [sflag:$0x1] =	stream.indirect_vreg.gather [hbm4b:s1+s3], $0x80, v4, vm0, $0xb8;
	[tilespmem:$0x10200] =	vst v63  }
0x8e: {  	s17 =	simm.s32 $0x4A00;
	v3 =	vperm.xlane v3, v2  }
0x8f: {  	[tilespmem:s17], [sflag:$0x1] =	stream.indirect_vreg.gather [hbm4b:s5+s3], $0x80, v4, vm0, $0xb8;
	[tilespmem:$0x10200] =	vst v63  }
0x90: {  	v3 =	vadd.s32 v1, v3;
	s17 =	simm.s32 $0x5200  }
0x91: {  	[tilespmem:s17], [sflag:$0x1] =	stream.indirect_vreg.gather [hbm4b:s6+s3], $0x80, v4, vm0, $0xb8;
	[tilespmem:$0x10200] =	vst v63  }
0x92: {  	s0 =	simm.s32 $0x5A00  }
0x93: {  	[tilespmem:s0], [sflag:$0x1] =	stream.indirect_vreg.gather [hbm4b:s7+s3], $0x80, v4, vm0, $0xb8;
	[tilespmem:$0x10200] =	vst v63  }
0x94: {  	s2 =	simm.s32 $0x6200  }
0x95: {  	[tilespmem:s2], [sflag:$0x1] =	stream.indirect_vreg.gather [hbm4b:s1+s3], $0x80, v3, vm0, $0xb8;
	[tilespmem:$0x10200] =	vst v63  }
0x96: {  	s4 =	simm.s32 $0x6A00  }
0x97: {  	[tilespmem:s4], [sflag:$0x1] =	stream.indirect_vreg.gather [hbm4b:s5+s3], $0x80, v3, vm0, $0xb8;
	[tilespmem:$0x10200] =	vst v63  }
0x98: {  	s10 =	simm.s32 $0x7200  }
0x99: {  	[tilespmem:s10], [sflag:$0x1] =	stream.indirect_vreg.gather [hbm4b:s6+s3], $0x80, v3, vm0, $0xb8;
	[tilespmem:$0x10200] =	vst v63  }
0x9a: {  	s13 =	simm.s32 $0x7A00  }
0x9b: {  	[tilespmem:s13], [sflag:$0x1] =	stream.indirect_vreg.gather [hbm4b:s7+s3], $0x80, v3, vm0, $0xb8;
	[tilespmem:$0x10200] =	vst v63  }
0x9c: {  	v3 =	vld [tilespmem:$0xA0];
	_ =	sdelay $0x4  }
0x9d: {  	v54 =	vshll.u32 v3, $0x3  }
0x9e: {  	v3 =	vand.u32 $0x7, v3;
	v4 =	vand.u32 $0xFFFFFFC0, v54  }
0x9f: {  	v3 =	vor.u32 v3, v4  }
0xa0: {  	v4 =	vperm.xlane v3, v0;
	_ =	sdelay $0x1  }
0xa1: {  	v4 =	vadd.s32 v1, v4;
	_ =	sdelay $0x3  }
0xa2: {  	s14 =	simm.s32 $0x8200  }
0xa3: {  	[tilespmem:s14], [sflag:$0x1] =	stream.indirect_vreg.gather [hbm4b:s1+s3], $0x80, v4, vm0, $0xb8;
	[tilespmem:$0x10200] =	vst v63  }
0xa4: {  	s15 =	simm.s32 $0x8A00;
	v3 =	vperm.xlane v3, v2  }
0xa5: {  	[tilespmem:s15], [sflag:$0x1] =	stream.indirect_vreg.gather [hbm4b:s5+s3], $0x80, v4, vm0, $0xb8;
	[tilespmem:$0x10200] =	vst v63  }
0xa6: {  	s11 =	simm.s32 $0x9200;
	v3 =	vadd.s32 v1, v3  }
0xa7: {  	[tilespmem:s11], [sflag:$0x1] =	stream.indirect_vreg.gather [hbm4b:s6+s3], $0x80, v4, vm0, $0xb8;
	[tilespmem:$0x10200] =	vst v63  }
0xa8: {  	s12 =	simm.s32 $0x9A00  }
0xa9: {  	[tilespmem:s12], [sflag:$0x1] =	stream.indirect_vreg.gather [hbm4b:s7+s3], $0x80, v4, vm0, $0xb8;
	[tilespmem:$0x10200] =	vst v63  }
0xaa: {  	s13 =	simm.s32 $0xA200  }
0xab: {  	[tilespmem:s13], [sflag:$0x1] =	stream.indirect_vreg.gather [hbm4b:s1+s3], $0x80, v3, vm0, $0xb8;
	[tilespmem:$0x10200] =	vst v63  }
0xac: {  	s31 =	simm.s32 $0xAA00  }
0xad: {  	[tilespmem:s31], [sflag:$0x1] =	stream.indirect_vreg.gather [hbm4b:s5+s3], $0x80, v3, vm0, $0xb8;
	[tilespmem:$0x10200] =	vst v63  }
0xae: {  	s31 =	simm.s32 $0xB200  }
0xaf: {  	[tilespmem:s31], [sflag:$0x1] =	stream.indirect_vreg.gather [hbm4b:s6+s3], $0x80, v3, vm0, $0xb8;
	[tilespmem:$0x10200] =	vst v63  }
0xb0: {  	s21 =	simm.s32 $0xBA00  }
0xb1: {  	[tilespmem:s21], [sflag:$0x1] =	stream.indirect_vreg.gather [hbm4b:s7+s3], $0x80, v3, vm0, $0xb8;
	[tilespmem:$0x10200] =	vst v63  }
0xb2: {  	v3 =	vld [tilespmem:$0xB0];
	_ =	sdelay $0x4  }
0xb3: {  	v55 =	vshll.u32 v3, $0x3  }
0xb4: {  	v3 =	vand.u32 $0x7, v3;
	v4 =	vand.u32 $0xFFFFFFC0, v55  }
0xb5: {  	v3 =	vor.u32 v3, v4  }
0xb6: {  	v4 =	vperm.xlane v3, v0;
	_ =	sdelay $0x1  }
0xb7: {  	v4 =	vadd.s32 v1, v4;
	_ =	sdelay $0x3  }
0xb8: {  	s22 =	simm.s32 $0xC200  }
0xb9: {  	[tilespmem:s22], [sflag:$0x1] =	stream.indirect_vreg.gather [hbm4b:s1+s3], $0x80, v4, vm0, $0xb8;
	[tilespmem:$0x10200] =	vst v63  }
0xba: {  	s23 =	simm.s32 $0xCA00;
	v3 =	vperm.xlane v3, v2  }
0xbb: {  	[tilespmem:s23], [sflag:$0x1] =	stream.indirect_vreg.gather [hbm4b:s5+s3], $0x80, v4, vm0, $0xb8;
	[tilespmem:$0x10200] =	vst v63  }
0xbc: {  	s25 =	simm.s32 $0xD200;
	v3 =	vadd.s32 v1, v3  }
0xbd: {  	[tilespmem:s25], [sflag:$0x1] =	stream.indirect_vreg.gather [hbm4b:s6+s3], $0x80, v4, vm0, $0xb8;
	[tilespmem:$0x10200] =	vst v63  }
0xbe: {  	s26 =	simm.s32 $0xDA00  }
0xbf: {  	[tilespmem:s26], [sflag:$0x1] =	stream.indirect_vreg.gather [hbm4b:s7+s3], $0x80, v4, vm0, $0xb8;
	[tilespmem:$0x10200] =	vst v63  }
0xc0: {  	s28 =	simm.s32 $0xE200  }
0xc1: {  	[tilespmem:s28], [sflag:$0x1] =	stream.indirect_vreg.gather [hbm4b:s1+s3], $0x80, v3, vm0, $0xb8;
	[tilespmem:$0x10200] =	vst v63  }
0xc2: {  	s29 =	simm.s32 $0xEA00  }
0xc3: {  	[tilespmem:s29], [sflag:$0x1] =	stream.indirect_vreg.gather [hbm4b:s5+s3], $0x80, v3, vm0, $0xb8;
	[tilespmem:$0x10200] =	vst v63  }
0xc4: {  	s30 =	simm.s32 $0xF200  }
0xc5: {  	[tilespmem:s30], [sflag:$0x1] =	stream.indirect_vreg.gather [hbm4b:s6+s3], $0x80, v3, vm0, $0xb8;
	[tilespmem:$0x10200] =	vst v63  }
0xc6: {  	s18 =	simm.s32 $0xFA00  }
0xc7: {  	[tilespmem:s18], [sflag:$0x1] =	stream.indirect_vreg.gather [hbm4b:s7+s3], $0x80, v3, vm0, $0xb8;
	[tilespmem:$0x10200] =	vst v63  }
0xc8: {  	_ =	swait.ge [sflag:s19], $0x10000  }
0xc9: {  	[sflag:s19] =	ssyncset.done $0x0  }
0xca: {  	s18 =	rddreg [dreg:$0x5];
	[sflag:s19] =	ssyncadd.s32 $0xFFFF0000  }
0xcb: {  	[hbm4b:s18+s3] =	stream.linear.scatter [tilespmem:s24], [sflag:$0x2], $0x10000, $0x38;
	[tilespmem:$0x10200] =	vst v63  }
0xcc: {  	_ =	swait.ge [sflag:s9], $0x10000  }
0xcd: {  	[sflag:s9] =	ssyncset.done $0x0  }
0xce: {  	[sflag:s9] =	ssyncadd.s32 $0xFFFF0000  }
0xcf: {  	v3 =	vld [tilespmem:$0x100];
	_ =	sdelay $0x4  }
0xd0: {  	v56 =	vshll.u32 v3, $0x3  }
0xd1: {  	v3 =	vand.u32 $0x7, v3;
	v4 =	vand.u32 $0xFFFFFFC0, v56  }
0xd2: {  	v3 =	vor.u32 v3, v4  }
0xd3: {  	v4 =	vperm.xlane v3, v0;
	_ =	sdelay $0x1  }
0xd4: {  	v4 =	vadd.s32 v1, v4;
	_ =	sdelay $0x4  }
0xd5: {  	[tilespmem:s24], [sflag:$0x1] =	stream.indirect_vreg.gather [hbm4b:s1+s3], $0x80, v4, vm0, $0xb8;
	[tilespmem:$0x10200] =	vst v63  }
0xd6: {  	s20 =	simm.s32 $0xA00;
	v3 =	vperm.xlane v3, v2  }
0xd7: {  	[tilespmem:s20], [sflag:$0x1] =	stream.indirect_vreg.gather [hbm4b:s5+s3], $0x80, v4, vm0, $0xb8;
	[tilespmem:$0x10200] =	vst v63  }
0xd8: {  	s21 =	simm.s32 $0x1200;
	v3 =	vadd.s32 v1, v3  }
0xd9: {  	[tilespmem:s21], [sflag:$0x1] =	stream.indirect_vreg.gather [hbm4b:s6+s3], $0x80, v4, vm0, $0xb8;
	[tilespmem:$0x10200] =	vst v63  }
0xda: {  	s22 =	simm.s32 $0x1A00  }
0xdb: {  	[tilespmem:s22], [sflag:$0x1] =	stream.indirect_vreg.gather [hbm4b:s7+s3], $0x80, v4, vm0, $0xb8;
	[tilespmem:$0x10200] =	vst v63  }
0xdc: {  	s29 =	simm.s32 $0x2200  }
0xdd: {  	[tilespmem:s29], [sflag:$0x1] =	stream.indirect_vreg.gather [hbm4b:s1+s3], $0x80, v3, vm0, $0xb8;
	[tilespmem:$0x10200] =	vst v63  }
0xde: {  	s20 =	simm.s32 $0x2A00  }
0xdf: {  	[tilespmem:s20], [sflag:$0x1] =	stream.indirect_vreg.gather [hbm4b:s5+s3], $0x80, v3, vm0, $0xb8;
	[tilespmem:$0x10200] =	vst v63  }
0xe0: {  	s29 =	simm.s32 $0x3200  }
0xe1: {  	[tilespmem:s29], [sflag:$0x1] =	stream.indirect_vreg.gather [hbm4b:s6+s3], $0x80, v3, vm0, $0xb8;
	[tilespmem:$0x10200] =	vst v63  }
0xe2: {  	s20 =	simm.s32 $0x3A00  }
0xe3: {  	[tilespmem:s20], [sflag:$0x1] =	stream.indirect_vreg.gather [hbm4b:s7+s3], $0x80, v3, vm0, $0xb8;
	[tilespmem:$0x10200] =	vst v63  }
0xe4: {  	v3 =	vld [tilespmem:$0x110];
	_ =	sdelay $0x4  }
0xe5: {  	v57 =	vshll.u32 v3, $0x3  }
0xe6: {  	v3 =	vand.u32 $0x7, v3;
	v4 =	vand.u32 $0xFFFFFFC0, v57  }
0xe7: {  	v3 =	vor.u32 v3, v4  }
0xe8: {  	v4 =	vperm.xlane v3, v0;
	_ =	sdelay $0x1  }
0xe9: {  	v4 =	vadd.s32 v1, v4;
	_ =	sdelay $0x4  }
0xea: {  	[tilespmem:s16], [sflag:$0x1] =	stream.indirect_vreg.gather [hbm4b:s1+s3], $0x80, v4, vm0, $0xb8;
	[tilespmem:$0x10200] =	vst v63  }
0xeb: {  	s29 =	simm.s32 $0x4A00;
	v3 =	vperm.xlane v3, v2  }
0xec: {  	[tilespmem:s29], [sflag:$0x1] =	stream.indirect_vreg.gather [hbm4b:s5+s3], $0x80, v4, vm0, $0xb8;
	[tilespmem:$0x10200] =	vst v63  }
0xed: {  	v3 =	vadd.s32 v1, v3  }
0xee: {  	[tilespmem:s17], [sflag:$0x1] =	stream.indirect_vreg.gather [hbm4b:s6+s3], $0x80, v4, vm0, $0xb8;
	[tilespmem:$0x10200] =	vst v63  }
0xef: {  	_ = 	snop  }
0xf0: {  	[tilespmem:s0], [sflag:$0x1] =	stream.indirect_vreg.gather [hbm4b:s7+s3], $0x80, v4, vm0, $0xb8;
	[tilespmem:$0x10200] =	vst v63  }
0xf1: {  	_ = 	snop  }
0xf2: {  	[tilespmem:s2], [sflag:$0x1] =	stream.indirect_vreg.gather [hbm4b:s1+s3], $0x80, v3, vm0, $0xb8;
	[tilespmem:$0x10200] =	vst v63  }
0xf3: {  	_ = 	snop  }
0xf4: {  	[tilespmem:s4], [sflag:$0x1] =	stream.indirect_vreg.gather [hbm4b:s5+s3], $0x80, v3, vm0, $0xb8;
	[tilespmem:$0x10200] =	vst v63  }
0xf5: {  	_ = 	snop  }
0xf6: {  	[tilespmem:s10], [sflag:$0x1] =	stream.indirect_vreg.gather [hbm4b:s6+s3], $0x80, v3, vm0, $0xb8;
	[tilespmem:$0x10200] =	vst v63  }
0xf7: {  	s20 =	simm.s32 $0x7A00  }
0xf8: {  	[tilespmem:s20], [sflag:$0x1] =	stream.indirect_vreg.gather [hbm4b:s7+s3], $0x80, v3, vm0, $0xb8;
	[tilespmem:$0x10200] =	vst v63  }
0xf9: {  	v3 =	vld [tilespmem:$0x120];
	_ =	sdelay $0x4  }
0xfa: {  	v58 =	vshll.u32 v3, $0x3  }
0xfb: {  	v3 =	vand.u32 $0x7, v3;
	v4 =	vand.u32 $0xFFFFFFC0, v58  }
0xfc: {  	v3 =	vor.u32 v3, v4  }
0xfd: {  	v4 =	vperm.xlane v3, v0;
	_ =	sdelay $0x1  }
0xfe: {  	v4 =	vadd.s32 v1, v4;
	_ =	sdelay $0x4  }
0xff: {  	[tilespmem:s14], [sflag:$0x1] =	stream.indirect_vreg.gather [hbm4b:s1+s3], $0x80, v4, vm0, $0xb8;
	[tilespmem:$0x10200] =	vst v63  }
0x100: {  	v3 =	vperm.xlane v3, v2  }
0x101: {  	[tilespmem:s15], [sflag:$0x1] =	stream.indirect_vreg.gather [hbm4b:s5+s3], $0x80, v4, vm0, $0xb8;
	[tilespmem:$0x10200] =	vst v63  }
0x102: {  	v3 =	vadd.s32 v1, v3  }
0x103: {  	[tilespmem:s11], [sflag:$0x1] =	stream.indirect_vreg.gather [hbm4b:s6+s3], $0x80, v4, vm0, $0xb8;
	[tilespmem:$0x10200] =	vst v63  }
0x104: {  	_ = 	snop  }
0x105: {  	[tilespmem:s12], [sflag:$0x1] =	stream.indirect_vreg.gather [hbm4b:s7+s3], $0x80, v4, vm0, $0xb8;
	[tilespmem:$0x10200] =	vst v63  }
0x106: {  	_ = 	snop  }
0x107: {  	[tilespmem:s13], [sflag:$0x1] =	stream.indirect_vreg.gather [hbm4b:s1+s3], $0x80, v3, vm0, $0xb8;
	[tilespmem:$0x10200] =	vst v63  }
0x108: {  	s29 =	simm.s32 $0xAA00  }
0x109: {  	[tilespmem:s29], [sflag:$0x1] =	stream.indirect_vreg.gather [hbm4b:s5+s3], $0x80, v3, vm0, $0xb8;
	[tilespmem:$0x10200] =	vst v63  }
0x10a: {  	s31 =	simm.s32 $0xB200  }
0x10b: {  	[tilespmem:s31], [sflag:$0x1] =	stream.indirect_vreg.gather [hbm4b:s6+s3], $0x80, v3, vm0, $0xb8;
	[tilespmem:$0x10200] =	vst v63  }
0x10c: {  	s31 =	simm.s32 $0xBA00  }
0x10d: {  	[tilespmem:s31], [sflag:$0x1] =	stream.indirect_vreg.gather [hbm4b:s7+s3], $0x80, v3, vm0, $0xb8;
	[tilespmem:$0x10200] =	vst v63  }
0x10e: {  	v3 =	vld [tilespmem:$0x130];
	_ =	sdelay $0x4  }
0x10f: {  	v59 =	vshll.u32 v3, $0x3  }
0x110: {  	v3 =	vand.u32 $0x7, v3;
	v4 =	vand.u32 $0xFFFFFFC0, v59  }
0x111: {  	v3 =	vor.u32 v3, v4  }
0x112: {  	v4 =	vperm.xlane v3, v0;
	_ =	sdelay $0x1  }
0x113: {  	v4 =	vadd.s32 v1, v4;
	_ =	sdelay $0x3  }
0x114: {  	s20 =	simm.s32 $0xC200  }
0x115: {  	[tilespmem:s20], [sflag:$0x1] =	stream.indirect_vreg.gather [hbm4b:s1+s3], $0x80, v4, vm0, $0xb8;
	[tilespmem:$0x10200] =	vst v63  }
0x116: {  	v3 =	vperm.xlane v3, v2;
	s20 =	simm.s32 $0xCA00  }
0x117: {  	[tilespmem:s20], [sflag:$0x1] =	stream.indirect_vreg.gather [hbm4b:s5+s3], $0x80, v4, vm0, $0xb8;
	[tilespmem:$0x10200] =	vst v63  }
0x118: {  	s25 =	simm.s32 $0xD200;
	v3 =	vadd.s32 v1, v3  }
0x119: {  	[tilespmem:s25], [sflag:$0x1] =	stream.indirect_vreg.gather [hbm4b:s6+s3], $0x80, v4, vm0, $0xb8;
	[tilespmem:$0x10200] =	vst v63  }
0x11a: {  	s26 =	simm.s32 $0xDA00  }
0x11b: {  	[tilespmem:s26], [sflag:$0x1] =	stream.indirect_vreg.gather [hbm4b:s7+s3], $0x80, v4, vm0, $0xb8;
	[tilespmem:$0x10200] =	vst v63  }
0x11c: {  	s28 =	simm.s32 $0xE200  }
0x11d: {  	[tilespmem:s28], [sflag:$0x1] =	stream.indirect_vreg.gather [hbm4b:s1+s3], $0x80, v3, vm0, $0xb8;
	[tilespmem:$0x10200] =	vst v63  }
0x11e: {  	s20 =	simm.s32 $0xEA00  }
0x11f: {  	[tilespmem:s20], [sflag:$0x1] =	stream.indirect_vreg.gather [hbm4b:s5+s3], $0x80, v3, vm0, $0xb8;
	[tilespmem:$0x10200] =	vst v63  }
0x120: {  	s23 =	simm.s32 $0xF200  }
0x121: {  	[tilespmem:s23], [sflag:$0x1] =	stream.indirect_vreg.gather [hbm4b:s6+s3], $0x80, v3, vm0, $0xb8;
	[tilespmem:$0x10200] =	vst v63  }
0x122: {  	s20 =	simm.s32 $0xFA00  }
0x123: {  	[tilespmem:s20], [sflag:$0x1] =	stream.indirect_vreg.gather [hbm4b:s7+s3], $0x80, v3, vm0, $0xb8;
	[tilespmem:$0x10200] =	vst v63  }
0x124: {  	_ =	swait.ge [sflag:s19], $0x10000  }
0x125: {  	[sflag:s19] =	ssyncset.done $0x0  }
0x126: {  	s20 =	rddreg [dreg:$0x6];
	[sflag:s19] =	ssyncadd.s32 $0xFFFF0000  }
0x127: {  	[hbm4b:s20+s3] =	stream.linear.scatter [tilespmem:s24], [sflag:$0x2], $0x10000, $0x38;
	[tilespmem:$0x10200] =	vst v63  }
0x128: {  	_ =	swait.ge [sflag:s9], $0x10000  }
0x129: {  	[sflag:s9] =	ssyncset.done $0x0  }
0x12a: {  	[sflag:s9] =	ssyncadd.s32 $0xFFFF0000  }
0x12b: {  	v3 =	vld [tilespmem:$0x180];
	_ =	sdelay $0x4  }
0x12c: {  	v60 =	vshll.u32 v3, $0x3  }
0x12d: {  	v3 =	vand.u32 $0x7, v3;
	v4 =	vand.u32 $0xFFFFFFC0, v60  }
0x12e: {  	v3 =	vor.u32 v3, v4  }
0x12f: {  	v4 =	vperm.xlane v3, v0;
	_ =	sdelay $0x1  }
0x130: {  	v4 =	vadd.s32 v1, v4;
	_ =	sdelay $0x4  }
0x131: {  	[tilespmem:s24], [sflag:$0x1] =	stream.indirect_vreg.gather [hbm4b:s1+s3], $0x80, v4, vm0, $0xb8;
	[tilespmem:$0x10200] =	vst v63  }
0x132: {  	s20 =	simm.s32 $0xA00;
	v3 =	vperm.xlane v3, v2  }
0x133: {  	[tilespmem:s20], [sflag:$0x1] =	stream.indirect_vreg.gather [hbm4b:s5+s3], $0x80, v4, vm0, $0xb8;
	[tilespmem:$0x10200] =	vst v63  }
0x134: {  	s30 =	simm.s32 $0x1200;
	v3 =	vadd.s32 v1, v3  }
0x135: {  	[tilespmem:s30], [sflag:$0x1] =	stream.indirect_vreg.gather [hbm4b:s6+s3], $0x80, v4, vm0, $0xb8;
	[tilespmem:$0x10200] =	vst v63  }
0x136: {  	s21 =	simm.s32 $0x1A00  }
0x137: {  	[tilespmem:s21], [sflag:$0x1] =	stream.indirect_vreg.gather [hbm4b:s7+s3], $0x80, v4, vm0, $0xb8;
	[tilespmem:$0x10200] =	vst v63  }
0x138: {  	s22 =	simm.s32 $0x2200  }
0x139: {  	[tilespmem:s22], [sflag:$0x1] =	stream.indirect_vreg.gather [hbm4b:s1+s3], $0x80, v3, vm0, $0xb8;
	[tilespmem:$0x10200] =	vst v63  }
0x13a: {  	s30 =	simm.s32 $0x2A00  }
0x13b: {  	[tilespmem:s30], [sflag:$0x1] =	stream.indirect_vreg.gather [hbm4b:s5+s3], $0x80, v3, vm0, $0xb8;
	[tilespmem:$0x10200] =	vst v63  }
0x13c: {  	s21 =	simm.s32 $0x3200  }
0x13d: {  	[tilespmem:s21], [sflag:$0x1] =	stream.indirect_vreg.gather [hbm4b:s6+s3], $0x80, v3, vm0, $0xb8;
	[tilespmem:$0x10200] =	vst v63  }
0x13e: {  	s22 =	simm.s32 $0x3A00  }
0x13f: {  	[tilespmem:s22], [sflag:$0x1] =	stream.indirect_vreg.gather [hbm4b:s7+s3], $0x80, v3, vm0, $0xb8;
	[tilespmem:$0x10200] =	vst v63  }
0x140: {  	v3 =	vld [tilespmem:$0x190];
	_ =	sdelay $0x4  }
0x141: {  	v61 =	vshll.u32 v3, $0x3  }
0x142: {  	v3 =	vand.u32 $0x7, v3;
	v4 =	vand.u32 $0xFFFFFFC0, v61  }
0x143: {  	v3 =	vor.u32 v3, v4  }
0x144: {  	v4 =	vperm.xlane v3, v0;
	_ =	sdelay $0x1  }
0x145: {  	v4 =	vadd.s32 v1, v4;
	_ =	sdelay $0x3  }
0x146: {  	s16 =	simm.s32 $0x4200  }
0x147: {  	[tilespmem:s16], [sflag:$0x1] =	stream.indirect_vreg.gather [hbm4b:s1+s3], $0x80, v4, vm0, $0xb8;
	[tilespmem:$0x10200] =	vst v63  }
0x148: {  	s30 =	simm.s32 $0x4A00;
	v3 =	vperm.xlane v3, v2  }
0x149: {  	[tilespmem:s30], [sflag:$0x1] =	stream.indirect_vreg.gather [hbm4b:s5+s3], $0x80, v4, vm0, $0xb8;
	[tilespmem:$0x10200] =	vst v63  }
0x14a: {  	s17 =	simm.s32 $0x5200;
	v3 =	vadd.s32 v1, v3  }
0x14b: {  	[tilespmem:s17], [sflag:$0x1] =	stream.indirect_vreg.gather [hbm4b:s6+s3], $0x80, v4, vm0, $0xb8;
	[tilespmem:$0x10200] =	vst v63  }
0x14c: {  	s0 =	simm.s32 $0x5A00  }
0x14d: {  	[tilespmem:s0], [sflag:$0x1] =	stream.indirect_vreg.gather [hbm4b:s7+s3], $0x80, v4, vm0, $0xb8;
	[tilespmem:$0x10200] =	vst v63  }
0x14e: {  	s2 =	simm.s32 $0x6200  }
0x14f: {  	[tilespmem:s2], [sflag:$0x1] =	stream.indirect_vreg.gather [hbm4b:s1+s3], $0x80, v3, vm0, $0xb8;
	[tilespmem:$0x10200] =	vst v63  }
0x150: {  	s4 =	simm.s32 $0x6A00  }
0x151: {  	[tilespmem:s4], [sflag:$0x1] =	stream.indirect_vreg.gather [hbm4b:s5+s3], $0x80, v3, vm0, $0xb8;
	[tilespmem:$0x10200] =	vst v63  }
0x152: {  	s10 =	simm.s32 $0x7200  }
0x153: {  	[tilespmem:s10], [sflag:$0x1] =	stream.indirect_vreg.gather [hbm4b:s6+s3], $0x80, v3, vm0, $0xb8;
	[tilespmem:$0x10200] =	vst v63  }
0x154: {  	s20 =	simm.s32 $0x7A00  }
0x155: {  	[tilespmem:s20], [sflag:$0x1] =	stream.indirect_vreg.gather [hbm4b:s7+s3], $0x80, v3, vm0, $0xb8;
	[tilespmem:$0x10200] =	vst v63  }
0x156: {  	v3 =	vld [tilespmem:$0x1A0];
	_ =	sdelay $0x4  }
0x157: {  	v62 =	vshll.u32 v3, $0x3  }
0x158: {  	v3 =	vand.u32 $0x7, v3;
	v4 =	vand.u32 $0xFFFFFFC0, v62  }
0x159: {  	v3 =	vor.u32 v3, v4  }
0x15a: {  	v4 =	vperm.xlane v3, v0;
	_ =	sdelay $0x1  }
0x15b: {  	v4 =	vadd.s32 v1, v4;
	_ =	sdelay $0x3  }
0x15c: {  	s14 =	simm.s32 $0x8200  }
0x15d: {  	[tilespmem:s14], [sflag:$0x1] =	stream.indirect_vreg.gather [hbm4b:s1+s3], $0x80, v4, vm0, $0xb8;
	[tilespmem:$0x10200] =	vst v63  }
0x15e: {  	s15 =	simm.s32 $0x8A00;
	v3 =	vperm.xlane v3, v2  }
0x15f: {  	[tilespmem:s15], [sflag:$0x1] =	stream.indirect_vreg.gather [hbm4b:s5+s3], $0x80, v4, vm0, $0xb8;
	[tilespmem:$0x10200] =	vst v63  }
0x160: {  	s11 =	simm.s32 $0x9200;
	v3 =	vadd.s32 v1, v3  }
0x161: {  	[tilespmem:s11], [sflag:$0x1] =	stream.indirect_vreg.gather [hbm4b:s6+s3], $0x80, v4, vm0, $0xb8;
	[tilespmem:$0x10200] =	vst v63  }
0x162: {  	s12 =	simm.s32 $0x9A00  }
0x163: {  	[tilespmem:s12], [sflag:$0x1] =	stream.indirect_vreg.gather [hbm4b:s7+s3], $0x80, v4, vm0, $0xb8;
	[tilespmem:$0x10200] =	vst v63  }
0x164: {  	s13 =	simm.s32 $0xA200  }
0x165: {  	[tilespmem:s13], [sflag:$0x1] =	stream.indirect_vreg.gather [hbm4b:s1+s3], $0x80, v3, vm0, $0xb8;
	[tilespmem:$0x10200] =	vst v63  }
0x166: {  	s29 =	simm.s32 $0xAA00  }
0x167: {  	[tilespmem:s29], [sflag:$0x1] =	stream.indirect_vreg.gather [hbm4b:s5+s3], $0x80, v3, vm0, $0xb8;
	[tilespmem:$0x10200] =	vst v63  }
0x168: {  	s18 =	simm.s32 $0xB200  }
0x169: {  	[tilespmem:s18], [sflag:$0x1] =	stream.indirect_vreg.gather [hbm4b:s6+s3], $0x80, v3, vm0, $0xb8;
	[tilespmem:$0x10200] =	vst v63  }
0x16a: {  	s31 =	simm.s32 $0xBA00  }
0x16b: {  	[tilespmem:s31], [sflag:$0x1] =	stream.indirect_vreg.gather [hbm4b:s7+s3], $0x80, v3, vm0, $0xb8;
	[tilespmem:$0x10200] =	vst v63  }
0x16c: {  	v3 =	vld [tilespmem:$0x1B0];
	_ =	sdelay $0x4  }
0x16d: {  	v63 =	vshll.u32 v3, $0x3  }
0x16e: {  	v3 =	vand.u32 $0x7, v3;
	v4 =	vand.u32 $0xFFFFFFC0, v63  }
0x16f: {  	v3 =	vor.u32 v3, v4  }
0x170: {  	v4 =	vperm.xlane v3, v0;
	_ =	sdelay $0x1  }
0x171: {  	v4 =	vadd.s32 v1, v4;
	_ =	sdelay $0x3  }
0x172: {  	s21 =	simm.s32 $0xC200  }
0x173: {  	[tilespmem:s21], [sflag:$0x1] =	stream.indirect_vreg.gather [hbm4b:s1+s3], $0x80, v4, vm0, $0xb8;
	[tilespmem:$0x10200] =	vst v63  }
0x174: {  	s22 =	simm.s32 $0xCA00;
	v3 =	vperm.xlane v3, v2  }
0x175: {  	[tilespmem:s22], [sflag:$0x1] =	stream.indirect_vreg.gather [hbm4b:s5+s3], $0x80, v4, vm0, $0xb8;
	[tilespmem:$0x10200] =	vst v63  }
0x176: {  	s25 =	simm.s32 $0xD200;
	v3 =	vadd.s32 v1, v3  }
0x177: {  	[tilespmem:s25], [sflag:$0x1] =	stream.indirect_vreg.gather [hbm4b:s6+s3], $0x80, v4, vm0, $0xb8;
	[tilespmem:$0x10200] =	vst v63  }
0x178: {  	s26 =	simm.s32 $0xDA00  }
0x179: {  	[tilespmem:s26], [sflag:$0x1] =	stream.indirect_vreg.gather [hbm4b:s7+s3], $0x80, v4, vm0, $0xb8;
	[tilespmem:$0x10200] =	vst v63  }
0x17a: {  	s28 =	simm.s32 $0xE200  }
0x17b: {  	[tilespmem:s28], [sflag:$0x1] =	stream.indirect_vreg.gather [hbm4b:s1+s3], $0x80, v3, vm0, $0xb8;
	[tilespmem:$0x10200] =	vst v63  }
0x17c: {  	s29 =	simm.s32 $0xEA00  }
0x17d: {  	[tilespmem:s29], [sflag:$0x1] =	stream.indirect_vreg.gather [hbm4b:s5+s3], $0x80, v3, vm0, $0xb8;
	[tilespmem:$0x10200] =	vst v63  }
0x17e: {  	s23 =	simm.s32 $0xF200  }
0x17f: {  	[tilespmem:s23], [sflag:$0x1] =	stream.indirect_vreg.gather [hbm4b:s6+s3], $0x80, v3, vm0, $0xb8;
	[tilespmem:$0x10200] =	vst v63  }
0x180: {  	s30 =	simm.s32 $0xFA00  }
0x181: {  	[tilespmem:s30], [sflag:$0x1] =	stream.indirect_vreg.gather [hbm4b:s7+s3], $0x80, v3, vm0, $0xb8;
	[tilespmem:$0x10200] =	vst v63  }
0x182: {  	_ =	swait.ge [sflag:s19], $0x10000  }
0x183: {  	p0 =	sne.s32 s8, $0x1;
	[sflag:s19] =	ssyncset.done $0x0  }
.Ltmp0:
0x184: {  	s31 =	rddreg [dreg:$0x7];
	[sflag:s19] =	ssyncadd.s32 $0xFFFF0000;
	(pc) =	sbr.rel @p0 .LBB2_1-.Ltmp0, $4  }
0x185: {  	[hbm4b:s31+s3] =	stream.linear.scatter [tilespmem:s24], [sflag:$0x2], $0x10000, $0x38;
	[tilespmem:$0x10200] =	vst v63  }
0x186: {  	_ =	swait.ge [sflag:s9], $0x10000  }
0x187: {  	[sflag:s9] =	ssyncset.done $0x0  }
0x188: {  	s8 =	sadd.s32 $0xFFFFFFFF, s8;
	[sflag:s9] =	ssyncadd.s32 $0xFFFF0000  }
0x189: {  	_ =	sfence.sel $0x180000  }
0x18a: {  	[bflag:$0x0] =	sbarrier.arrive $0xFFFF  }
0x18b: {  	_ =	strace $0x90000047  }
0x18c: {  	s0 =	stileid.u32;
	[bflag:$0x2] =	sbarrier.arrive $0xFFFF  }
0x18d: {  	p0 =	sne.s32 s0, $0x0;
	s0 =	rddreg [dreg:$0x3]  }
0x18e: {  	s0 =	sadd.s32 @!p0 $0x100000, s0  }
0x18f: {  	[sflag:s0] =	ssyncadd.tile.s32 @!p0 $0x1;
	_ =	shalt  }
.Lfunc_end2:
_tile_overlayer_lowered:
.L_overlay_start_2:
0x190: {  	(tag) =	ssettag $0x2  }
0x191: {  	s0 =	rddreg [dreg:$0x0];
	s2 =	stileid.u32  }
0x192: {  	s1 =	rddreg [dreg:$0x1];
	p0 =	sne.s32 s2, $0x0  }
0x193: {  	s3 =	rddreg [dreg:$0x2];
	[bflag:$0x3] =	sbarrier.arrive $0xFFFF;
	s2 =	simm.s32 @!p0 $0x1C02  }
0x194: {  	[timem:s3], [sflag:s2] =	dma.local @!p0 [hbm:s0], s1  }
0x195: {  	s0 =	simm.s32 @!p0 $0x2  }
0x196: {  	_ =	swait.ge @!p0 [sflag:s0], s1  }
0x197: {  	s1 =	ssub.s32 @!p0 $0x0, s1;
	[sflag:s0] =	ssyncset.done @!p0 $0x0  }
0x198: {  	[sflag:s0] =	ssyncadd.s32 @!p0 s1  }
0x199: {  	[bflag:$0x3] =	sbarrier.arrive $0xFFFF  }
0x19a: {  	_ =	shalt  }

</sc_bundles>
